<compile_context>
chip_gen: v7x
topology: tpu7x:2x2x1
jax: 0.10.2.dev20260603
libtpu: 0.0.44.dev20260713+nightly
codegen_flags: <defaults>
</compile_context>

<pallas_src>
import functools

import jax
import jax.numpy as jnp
from jax import lax
from jax.experimental import pallas as pl
from jax.experimental.pallas import tpu as pltpu
from jax.experimental.pallas import tpu_sc as plsc

_K = 51
_NW = 32



def _knn_body(prow_ref, pallT_ref, idx_ref, dpos_ref, dist_ref, *, K):
    prow = prow_ref[0]
    pallT = pallT_ref[0]
    Vt = prow.shape[0]
    V = pallT.shape[1]
    inner = lax.dot_general(prow.astype(jnp.bfloat16), pallT.astype(jnp.bfloat16),
                            (((1,), (0,)), ((), ())),
                            preferred_element_type=jnp.float32)
    sqr = jnp.sum(prow * prow, axis=1)[:, None]
    sqa = jnp.sum(pallT * pallT, axis=0)[None, :]
    dist = sqr - 2.0 * inner + sqa
    bits = lax.bitcast_convert_type(dist, jnp.int32)
    mint = jnp.int32(-2147483648)
    dist_ref[:, :] = jnp.where(bits < 0, (-1 - bits) ^ mint, bits)
    iot = lax.broadcasted_iota(jnp.int32, (Vt, V), 1)
    imax = jnp.int32(2147483647)

    def body(t, carry):
        d = dist_ref[:, :]
        m = jnp.min(d, axis=1, keepdims=True)
        a = jnp.min(jnp.where(d == m, iot, V), axis=1)
        idx_ref[0, pl.ds(t, 1), :] = (a + pl.program_id(0) * V)[None, :]
        onehot = iot == a[:, None]
        dist_ref[:, :] = jnp.where(onehot, imax, d)
        nb = jnp.stack(
            [jnp.sum(jnp.where(onehot, pallT[c][None, :], 0.0), axis=1)
             for c in range(3)], axis=1)
        dpos_ref[0, pl.ds(t, 1), :, :] = (nb - prow)[None]
        return carry

    lax.fori_loop(0, K, body, 0)


def _knn51(pos, K=_K):
    B, V, _ = pos.shape
    Vt = min(V, 256)
    grid = (B, V // Vt)
    posT = jnp.transpose(pos, (0, 2, 1))
    idx, dpos = pl.pallas_call(
        functools.partial(_knn_body, K=K),
        grid=grid,
        in_specs=[pl.BlockSpec((1, Vt, 3), lambda b, j: (b, j, 0)),
                  pl.BlockSpec((1, 3, V), lambda b, j: (b, 0, 0))],
        out_specs=[pl.BlockSpec((1, K, Vt), lambda b, j: (b, 0, j)),
                   pl.BlockSpec((1, K, Vt, 3), lambda b, j: (b, 0, j, 0))],
        out_shape=[jax.ShapeDtypeStruct((B, K, V), jnp.int32),
                   jax.ShapeDtypeStruct((B, K, V, 3), jnp.float32)],
        scratch_shapes=[pltpu.VMEM((Vt, V), jnp.int32)],
    )(pos, posT)
    return idx, dpos



@functools.partial(jax.jit, static_argnames=("fill", "cdma"))
def _sc_gather_call(table, idx, fill, cdma):
    M = idx.shape[0]
    D = table.shape[1]
    b_per_w = M // _NW
    n_fills = b_per_w // fill
    kf = fill // cdma
    mesh = plsc.VectorSubcoreMesh(core_axis_name="c", subcore_axis_name="s")

    @functools.partial(
        pl.kernel, mesh=mesh,
        out_type=jax.ShapeDtypeStruct((M, D), jnp.float32),
        scratch_types=[
            pltpu.VMEM((b_per_w,), jnp.int32),
            pltpu.VMEM((2, fill, D), jnp.float32),
            pltpu.SemaphoreType.DMA((2,)),
            pltpu.SemaphoreType.DMA((2,)),
        ],
    )
    def k(table_hbm, idx_hbm, out_hbm, idx_v, rows_v, gsem, ssem):
        wid = lax.axis_index("s") * 2 + lax.axis_index("c")
        base = wid * b_per_w
        pltpu.sync_copy(idx_hbm.at[pl.ds(base, b_per_w)], idx_v)

        def g_descs(f, buf):
            return [pltpu.make_async_copy(
                        table_hbm.at[idx_v.at[pl.ds(f * fill + j * cdma, cdma)]],
                        rows_v.at[buf, pl.ds(j * cdma, cdma)],
                        gsem.at[buf]) for j in range(kf)]

        def s_desc(f, buf):
            return pltpu.make_async_copy(
                rows_v.at[buf], out_hbm.at[pl.ds(base + f * fill, fill)],
                ssem.at[buf])

        for d in g_descs(0, 0):
            d.start()

        def body(f, carry):
            buf = lax.rem(f, 2)
            obuf = 1 - buf
            for d in g_descs(f, buf):
                d.wait()

            @pl.when(f >= 1)
            def _():
                s_desc(f - 1, obuf).wait()

            @pl.when(f + 1 < n_fills)
            def _():
                for d in g_descs(f + 1, obuf):
                    d.start()

            s_desc(f, buf).start()
            return carry

        lax.fori_loop(0, n_fills, body, 0)
        s_desc(n_fills - 1, lax.rem(n_fills - 1, 2)).wait()

    return k(table, idx)


def _sc_gather(table, idx):
    M = idx.shape[0]
    D = table.shape[1]
    cdma = 128 if D <= 256 else 64
    fill = 32768 // D
    step = _NW * fill
    M_pad = -(-M // step) * step
    if M_pad != M:
        idx = jnp.concatenate([idx, jnp.zeros((M_pad - M,), jnp.int32)])
    out = _sc_gather_call(table, idx, fill, cdma)
    return out[:M] if M_pad != M else out



def _bdot(a, b):
    return lax.dot_general(a.astype(jnp.bfloat16), b.astype(jnp.bfloat16),
                           (((a.ndim - 1,), (0,)), ((), ())),
                           preferred_element_type=jnp.float32)


def _mm_body(x_ref, w_ref, b_ref, o_ref, *, act):
    out = _bdot(x_ref[...], w_ref[...]) + b_ref[...]
    if act == 'relu':
        out = jnp.maximum(out, 0.0)
    o_ref[...] = out


def _mm_res_body(x_ref, w_ref, b_ref, r_ref, o_ref):
    o_ref[...] = _bdot(x_ref[...], w_ref[...]) + b_ref[...] + r_ref[...]


def _mm(x, w, b, act=None, res=None):
    R, Ci = x.shape
    Co = w.shape[1]
    Rt = min(R, 512)
    while R % Rt:
        Rt //= 2
    grid = (R // Rt,)
    b = b.reshape(1, Co)
    xs = pl.BlockSpec((Rt, Ci), lambda i: (i, 0))
    ws = pl.BlockSpec((Ci, Co), lambda i: (0, 0))
    bs = pl.BlockSpec((1, Co), lambda i: (0, 0))
    os_ = pl.BlockSpec((Rt, Co), lambda i: (i, 0))
    shape = jax.ShapeDtypeStruct((R, Co), jnp.float32)
    if res is None:
        return pl.pallas_call(
            functools.partial(_mm_body, act=act), grid=grid,
            in_specs=[xs, ws, bs], out_specs=os_, out_shape=shape,
        )(x, w, b)
    return pl.pallas_call(
        _mm_res_body, grid=grid,
        in_specs=[xs, ws, bs, os_], out_specs=os_, out_shape=shape,
    )(x, w, b, res)


def _bn_body(x_ref, g_ref, b_ref, o_ref):
    x = x_ref[...]
    mu = jnp.mean(x, axis=0, keepdims=True)
    var = jnp.mean((x - mu) ** 2, axis=0, keepdims=True)
    o_ref[...] = jnp.maximum(
        (x - mu) / jnp.sqrt(var + 1e-5) * g_ref[...] + b_ref[...],
        0.0)


def _bn_relu(x, g, b):
    R, C = x.shape
    g = g.reshape(1, C)
    b = b.reshape(1, C)
    return pl.pallas_call(
        _bn_body,
        in_specs=[pl.BlockSpec((R, C), lambda: (0, 0)),
                  pl.BlockSpec((1, C), lambda: (0, 0)),
                  pl.BlockSpec((1, C), lambda: (0, 0))],
        out_specs=pl.BlockSpec((R, C), lambda: (0, 0)),
        out_shape=jax.ShapeDtypeStruct((R, C), jnp.float32),
    )(x, g, b)


def _unit(x, axis):
    n = jnp.sqrt(jnp.sum(x * x, axis=axis, keepdims=True))
    return x / jnp.maximum(n, 1e-12)


def _conv_s_body(d_ref, dir_ref, o_ref, *, N):
    sdn = _unit(dir_ref[...], 0)

    def theta(nn):
        ndn = _unit(d_ref[:, nn, :], 1)
        return _bdot(ndn, sdn)

    acc = theta(0)
    for nn in range(1, N):
        acc = jnp.maximum(acc, theta(nn))
    o_ref[...] = jnp.maximum(acc, 0.0)


def _conv_surface_k(d, dirs):
    R, N, _ = d.shape
    kn = dirs.shape[1]
    Rt = min(R, 512)
    return pl.pallas_call(
        functools.partial(_conv_s_body, N=N), grid=(R // Rt,),
        in_specs=[pl.BlockSpec((Rt, N, 3), lambda i: (i, 0, 0)),
                  pl.BlockSpec((3, kn), lambda i: (0, 0))],
        out_specs=pl.BlockSpec((Rt, kn), lambda i: (i, 0)),
        out_shape=jax.ShapeDtypeStruct((R, kn), jnp.float32),
    )(d, dirs)


def _conv_l_body(d_ref, dir_ref, fs_ref, fc_ref, o_ref, *, N):
    sdn = _unit(dir_ref[...], 0)

    def term(nn):
        ndn = _unit(d_ref[:, nn, :], 1)
        th = jnp.maximum(_bdot(ndn, sdn), 0.0)
        return th * fs_ref[:, nn, :]

    acc = term(0)
    for nn in range(1, N):
        acc = jnp.maximum(acc, term(nn))
    o_ref[...] = fc_ref[...] + acc


def _conv_layer_k(d, dirs, fs_nb, fc):
    R, N, _ = d.shape
    o = dirs.shape[1]
    Rt = min(R, 32768 // o)
    while R % Rt:
        Rt //= 2
    return pl.pallas_call(
        functools.partial(_conv_l_body, N=N), grid=(R // Rt,),
        in_specs=[pl.BlockSpec((Rt, N, 3), lambda i: (i, 0, 0)),
                  pl.BlockSpec((3, o), lambda i: (0, 0)),
                  pl.BlockSpec((Rt, N, o), lambda i: (i, 0, 0)),
                  pl.BlockSpec((Rt, o), lambda i: (i, 0))],
        out_specs=pl.BlockSpec((Rt, o), lambda i: (i, 0)),
        out_shape=jax.ShapeDtypeStruct((R, o), jnp.float32),
    )(d, dirs, fs_nb, fc)


def _nbmax_body(x_ref, o_ref, *, N):
    acc = x_ref[:, 0, :]
    for nn in range(1, N):
        acc = jnp.maximum(acc, x_ref[:, nn, :])
    o_ref[...] = acc


def _nbmax(x):
    R, N, C = x.shape
    Rt = min(R, max(8, 131072 // (N * C)))
    while R % Rt:
        Rt //= 2
    return pl.pallas_call(
        functools.partial(_nbmax_body, N=N), grid=(R // Rt,),
        in_specs=[pl.BlockSpec((Rt, N, C), lambda i: (i, 0, 0))],
        out_specs=pl.BlockSpec((Rt, C), lambda i: (i, 0)),
        out_shape=jax.ShapeDtypeStruct((R, C), jnp.float32),
    )(x)


def _att_body(q_ref, kv_ref, pe_ref, w1_ref, b1_ref, w2_ref, b2_ref, o_ref, *, d):
    q = q_ref[...]
    w1 = w1_ref[...]
    b1 = b1_ref[...]
    w2 = w2_ref[...]
    b2 = b2_ref[...]
    N = kv_ref.shape[1]

    logits = []
    for nn in range(N):
        s = q - kv_ref[:, nn, :d] + pe_ref[:, nn, :]
        h = jnp.maximum(_bdot(s, w1) + b1, 0.0)
        logits.append(_bdot(h, w2) + b2)

    m = logits[0]
    for nn in range(1, N):
        m = jnp.maximum(m, logits[nn])
    es = [jnp.exp(l - m) for l in logits]
    z = es[0]
    for nn in range(1, N):
        z = z + es[nn]
    acc = jnp.zeros_like(q)
    for nn in range(N):
        acc = acc + (es[nn] / z) * (kv_ref[:, nn, d:] + pe_ref[:, nn, :])
    o_ref[...] = acc


def _att_tail(q, kvnb, pe, w1, b1, w2, b2):
    R, d = q.shape
    b1 = b1.reshape(1, d)
    b2 = b2.reshape(1, d)
    Rt = min(R, 65536 // d)
    while R % Rt:
        Rt //= 2
    return pl.pallas_call(
        functools.partial(_att_body, d=d), grid=(R // Rt,),
        in_specs=[pl.BlockSpec((Rt, d), lambda i: (i, 0)),
                  pl.BlockSpec((Rt, 16, 2 * d), lambda i: (i, 0, 0)),
                  pl.BlockSpec((Rt, 16, d), lambda i: (i, 0, 0)),
                  pl.BlockSpec((d, d), lambda i: (0, 0)),
                  pl.BlockSpec((1, d), lambda i: (0, 0)),
                  pl.BlockSpec((d, d), lambda i: (0, 0)),
                  pl.BlockSpec((1, d), lambda i: (0, 0))],
        out_specs=pl.BlockSpec((Rt, d), lambda i: (i, 0)),
        out_shape=jax.ShapeDtypeStruct((R, d), jnp.float32),
    )(q, kvnb, pe, w1, b1, w2, b2)



def _knn_bundle(v):
    B, V, _ = v.shape
    idxT, dposT = _knn51(v)
    idx = jnp.transpose(idxT, (0, 2, 1))
    d50 = jnp.transpose(dposT, (0, 2, 1, 3))[:, :, 1:51]
    d50 = d50.reshape(B * V, 50, 3)
    rel = (-d50[:, :16]).reshape(B * V * 16, 3)
    return idx, d50, rel


def _conv_layer(p, ii, d, fmap, out_ch):
    R = fmap.shape[0]
    N = ii.shape[0] // R
    fout = _mm(fmap, p['w'], p['b'])
    fc = fout[:, :out_ch]
    fs = fout[:, out_ch:]
    fs_nb = _sc_gather(fs, ii).reshape(R, N, out_ch)
    return _conv_layer_k(d, p['dir'], fs_nb, fc)


def _fusion_surface(p, knn, dim):
    idx, d50, _ = knn
    i50 = idx[:, :, 1:51].reshape(-1)
    fl = _bn_relu(_conv_surface_k(d50[:, :10], p['conv_l']['dir']),
                  p['bn_l']['g'], p['bn_l']['b'])
    fg = _bn_relu(_conv_surface_k(d50, p['conv_g0']['dir']),
                  p['bn_g0']['g'], p['bn_g0']['b'])
    fg = _bn_relu(_conv_layer(p['conv_g1'], i50, d50, fg, dim),
                  p['bn_g1']['g'], p['bn_g1']['b'])
    return jnp.concatenate([fl, fg], axis=1)


def _fusion(p, knn, inp, dim):
    idx, d50, _ = knn
    i10 = idx[:, :, 1:11].reshape(-1)
    i50 = idx[:, :, 1:51].reshape(-1)
    fl = _bn_relu(_conv_layer(p['conv_l'], i10, d50[:, :10], inp, dim),
                  p['bn_l']['g'], p['bn_l']['b'])
    fg = _bn_relu(_conv_layer(p['conv_g0'], i50, d50, inp, dim),
                  p['bn_g0']['g'], p['bn_g0']['b'])
    fg = _bn_relu(_conv_layer(p['conv_g1'], i50, d50, fg, dim),
                  p['bn_g1']['g'], p['bn_g1']['b'])
    return jnp.concatenate([fl, fg], axis=1)


def _transformer(p, knn, feat):
    idx, _, rel = knn
    R, dm = feat.shape
    i16 = idx[:, :, 1:17].reshape(-1)
    x = _mm(feat, p['start']['w'], p['start']['b'])
    wqkv = jnp.concatenate([p['q']['w'], p['k']['w'], p['v']['w']], axis=1)
    bqkv = jnp.concatenate([p['q']['b'], p['k']['b'], p['v']['b']])
    qkv = _mm(x, wqkv, bqkv)
    q = qkv[:, :dm]
    kv = qkv[:, dm:]
    kvnb = _sc_gather(kv, i16).reshape(R, 16, 2 * dm)
    pe = _mm(_mm(rel, p['pos1']['w'], p['pos1']['b'], act='relu'),
             p['pos2']['w'], p['pos2']['b']).reshape(R, 16, dm)
    agg = _att_tail(q, kvnb, pe, p['attn1']['w'], p['attn1']['b'],
                    p['attn2']['w'], p['attn2']['b'])
    return _mm(agg, p['end']['w'], p['end']['b'], res=feat)


def _pool(knn, v, fmap, rate=4):
    idx = knn[0]
    B, V, _ = idx.shape
    pool_num = V // rate
    i4 = idx[:, :pool_num, 1:5].reshape(-1)
    C = fmap.shape[1]
    nb = _sc_gather(fmap, i4).reshape(B * pool_num, 4, C)
    return v[:, :pool_num, :], _nbmax(nb)


def kernel(vertices, params):
    v = jnp.transpose(vertices, (0, 2, 1))
    B, V, _ = v.shape
    knn0 = _knn_bundle(v)

    fm0 = _fusion_surface(params['conv_0'], knn0, 128)
    fm0 = _mm(fm0, params['down0']['w'], params['down0']['b'], act='relu')
    fm0 = _transformer(params['att0'], knn0, fm0)
    fm1 = _fusion(params['conv_1'], knn0, fm0, 128)
    fm1 = _mm(fm1, params['down1']['w'], params['down1']['b'], act='relu')
    fm1 = _transformer(params['att1'], knn0, fm1)
    vp1, fp1 = _pool(knn0, v, fm1)

    knn1 = _knn_bundle(vp1)
    fm2 = _fusion(params['conv_2'], knn1, fp1, 128)
    fm2 = _transformer(params['att2'], knn1, fm2)
    fm3 = _fusion(params['conv_3'], knn1, fm2, 256)
    fm3 = _transformer(params['att3'], knn1, fm3)
    vp2, fp2 = _pool(knn1, vp1, fm3)

    knn2 = _knn_bundle(vp2)
    fm4 = _fusion(params['conv_4'], knn2, fp2, 512)
    fm4 = _mm(fm4, params['down2']['w'], params['down2']['b'], act='relu')
    fm4 = _transformer(params['att4'], knn2, fm4)

    V2 = vp2.shape[1]
    return _nbmax(fm4.reshape(B, V2, fm4.shape[1]))

# --- scband reference (transcript-rebuilt; emitter-appended) ---
"""Pipeline reference for scband-gcn3-d-29600914604155 (READ-ONLY COPY).

The authoritative reference and input builder live on the scoring server;
editing this copy changes nothing except your own understanding.
"""

import jax, jax.numpy as jnp
import numpy as np

SUPPORT = 1
NB_L = 10
NB_G = 50

def knn_index(pos, k):
    inner = jnp.einsum('bnd,bmd->bnm', pos, pos)
    sq = jnp.sum(pos * pos, axis=-1)
    dist = sq[:, :, None] - 2.0 * inner + sq[:, None, :]
    idx = jnp.argsort(dist, axis=-1)[:, :, 1:k + 1]
    return idx

def gather_nb(t, idx):
    return jax.vmap(lambda tb, ib: tb[ib])(t, idx)

def nb_dir_norm(vertices, idx):
    nb = gather_nb(vertices, idx)
    d = nb - vertices[:, :, None, :]
    n = jnp.linalg.norm(d, axis=-1, keepdims=True)
    return d / jnp.maximum(n, 1e-12)

def conv_surface_f(p, idx, vertices, kernel_num, s):
    bs, v, n = idx.shape
    ndn = nb_dir_norm(vertices, idx)
    dnorm = jnp.maximum(jnp.linalg.norm(p['dir'], axis=0, keepdims=True), 1e-12)
    sdn = p['dir'] / dnorm
    theta = jax.nn.relu(ndn @ sdn)
    theta = theta.reshape(bs, v, n, s, kernel_num)
    theta = jnp.max(theta, axis=2)
    return jnp.sum(theta, axis=2)

def conv_layer_f(p, idx, vertices, fmap, out_ch, s):
    bs, v, n = idx.shape
    ndn = nb_dir_norm(vertices, idx)
    dnorm = jnp.maximum(jnp.linalg.norm(p['dir'], axis=0, keepdims=True), 1e-12)
    sdn = p['dir'] / dnorm
    theta = jax.nn.relu(ndn @ sdn)
    fout = fmap @ p['w'] + p['b']
    fc = fout[:, :, :out_ch]
    fs = fout[:, :, out_ch:]
    fs_nb = gather_nb(fs, idx)
    act = (theta * fs_nb).reshape(bs, v, n, s, out_ch)
    act = jnp.max(act, axis=2)
    act = jnp.sum(act, axis=2)
    return fc + act

def bn_f(p, x):
    mu = jnp.mean(x, axis=(0, 1), keepdims=True)
    var = jnp.var(x, axis=(0, 1), keepdims=True)
    return (x - mu) / jnp.sqrt(var + 1e-5) * p['g'] + p['b']

def fusion_surface_f(p, vertices, dim, s):
    il = knn_index(vertices, NB_L)
    ig = knn_index(vertices, NB_G)
    fl = jax.nn.relu(bn_f(p['bn_l'], conv_surface_f(p['conv_l'], il, vertices, dim, s)))
    fg = jax.nn.relu(bn_f(p['bn_g0'], conv_surface_f(p['conv_g0'], ig, vertices, dim, s)))
    fg = jax.nn.relu(bn_f(p['bn_g1'], conv_layer_f(p['conv_g1'], ig, vertices, fg, dim, s)))
    return jnp.concatenate([fl, fg], axis=2)

def fusion_f(p, vertices, inp, dim, s):
    il = knn_index(vertices, NB_L)
    ig = knn_index(vertices, NB_G)
    fl = jax.nn.relu(bn_f(p['bn_l'], conv_layer_f(p['conv_l'], il, vertices, inp, dim, s)))
    fg = jax.nn.relu(bn_f(p['bn_g0'], conv_layer_f(p['conv_g0'], ig, vertices, inp, dim, s)))
    fg = jax.nn.relu(bn_f(p['bn_g1'], conv_layer_f(p['conv_g1'], ig, vertices, fg, dim, s)))
    return jnp.concatenate([fl, fg], axis=2)

def linear_relu(p, x):
    return jax.nn.relu(x @ p['w'] + p['b'])

def pool_f(vertices, fmap, rate=4, nbk=4):
    idx = knn_index(vertices, nbk)
    nb = gather_nb(fmap, idx)
    pooled = jnp.max(nb, axis=2)
    pool_num = vertices.shape[1] // rate
    return vertices[:, :pool_num, :], pooled[:, :pool_num, :]

def transformer_f(p, pos, feat, n_knn=16):
    identity = feat
    x = feat @ p['start']['w'] + p['start']['b']
    q = x @ p['q']['w'] + p['q']['b']
    k = x @ p['k']['w'] + p['k']['b']
    v = x @ p['v']['w'] + p['v']['b']
    idx = knn_index(pos, n_knn)
    knb = gather_nb(k, idx)
    vnb = gather_nb(v, idx)
    pnb = gather_nb(pos, idx)
    rel = pos[:, :, None, :] - pnb
    pe = jax.nn.relu(rel @ p['pos1']['w'] + p['pos1']['b']) @ p['pos2']['w'] + p['pos2']['b']
    a = jax.nn.relu((q[:, :, None, :] - knb + pe) @ p['attn1']['w'] + p['attn1']['b']) @ p['attn2']['w'] + p['attn2']['b']
    a = jax.nn.softmax(a, axis=2)
    agg = jnp.sum(a * (vnb + pe), axis=2)
    return agg @ p['end']['w'] + p['end']['b'] + identity

def _make_params(key):
    cnt = [0]
    def nk():
        cnt[0] += 1
        return jax.random.fold_in(key, cnt[0])
    def lin(i, o):
        return {'w': jax.random.normal(nk(), (i, o), jnp.float32) * 0.05,
                'b': jnp.zeros((o,), jnp.float32)}
    def conv_surface(kn, s):
        return {'dir': jax.random.normal(nk(), (3, s * kn), jnp.float32)}
    def conv_layer(i, o, s):
        return {'w': jax.random.normal(nk(), (i, (s + 1) * o), jnp.float32) * 0.05,
                'b': jnp.zeros(((s + 1) * o,), jnp.float32),
                'dir': jax.random.normal(nk(), (3, s * o), jnp.float32)}
    def bn(c):
        return {'g': jnp.ones((c,), jnp.float32), 'b': jnp.zeros((c,), jnp.float32)}
    def fusion_surface(d, s):
        return {'conv_l': conv_surface(d, s), 'conv_g0': conv_surface(d, s),
                'conv_g1': conv_layer(d, d, s),
                'bn_l': bn(d), 'bn_g0': bn(d), 'bn_g1': bn(d)}
    def fusion(d, s):
        return {'conv_l': conv_layer(d, d, s), 'conv_g0': conv_layer(d, d, s),
                'conv_g1': conv_layer(d, d, s),
                'bn_l': bn(d), 'bn_g0': bn(d), 'bn_g1': bn(d)}
    def transformer(d):
        return {'start': lin(d, d), 'q': lin(d, d), 'k': lin(d, d), 'v': lin(d, d),
                'pos1': lin(3, 64), 'pos2': lin(64, d),
                'attn1': lin(d, d), 'attn2': lin(d, d), 'end': lin(d, d)}
    S = SUPPORT
    return {
        'conv_0': fusion_surface(128, S), 'down0': lin(256, 128), 'att0': transformer(128),
        'conv_1': fusion(128, S), 'down1': lin(256, 128), 'att1': transformer(128),
        'conv_2': fusion(128, S), 'att2': transformer(256),
        'conv_3': fusion(256, S), 'att3': transformer(512),
        'conv_4': fusion(512, S), 'down2': lin(1024, 512), 'att4': transformer(512),
    }

def _forward(vertices, params):
    S = SUPPORT
    v = jnp.transpose(vertices, (0, 2, 1))
    fm0 = fusion_surface_f(params['conv_0'], v, 128, S)
    fm0 = linear_relu(params['down0'], fm0)
    fm0 = transformer_f(params['att0'], v, fm0)
    fm1 = fusion_f(params['conv_1'], v, fm0, 128, S)
    fm1 = linear_relu(params['down1'], fm1)
    fm1 = transformer_f(params['att1'], v, fm1)
    vp1, fp1 = pool_f(v, fm1)
    fm2 = fusion_f(params['conv_2'], vp1, fp1, 128, S)
    fm2 = transformer_f(params['att2'], vp1, fm2)
    fm3 = fusion_f(params['conv_3'], vp1, fm2, 256, S)
    fm3 = transformer_f(params['att3'], vp1, fm3)
    vp2, fp2 = pool_f(vp1, fm3)
    fm4 = fusion_f(params['conv_4'], vp2, fp2, 512, S)
    fm4 = linear_relu(params['down2'], fm4)
    fm4 = transformer_f(params['att4'], vp2, fm4)
    return jnp.max(fm4, axis=1)

def setup_inputs(seed: int = 0):
    key = jax.random.key(seed)
    vertices = jax.random.normal(jax.random.fold_in(key, 0), (4, 3, 1024), jnp.float32)
    params = _make_params(jax.random.fold_in(key, 1))
    return {'vertices': vertices, 'params': params}

def reference(vertices, params):
    return _forward(vertices, params)

if __name__ == "__main__":
    import jax
    _d = setup_inputs()
    print(jax.jit(kernel)(*tuple(_d.values())))

</pallas_src>

<mosaic_0001>
#map = affine_map<(d0, d1) -> (0, 0)>
#map1 = affine_map<(d0, d1) -> (0)>
module attributes {stable_mosaic.version = 14 : i64} {
  func.func @k(%arg0: i32, %arg1: i32, %arg2: memref<4096x128xf32, #tpu.memory_space<hbm>>, %arg3: memref<204800xi32, #tpu.memory_space<hbm>>, %arg4: memref<204800x128xf32, #tpu.memory_space<hbm>>, %arg5: memref<6400xi32, #tpu.memory_space<vmem>>, %arg6: memref<2x256x128xf32, #tpu.memory_space<vmem>>, %arg7: memref<2x!tpu.dma_semaphore, #tpu.memory_space<semaphore_mem>>, %arg8: memref<2x!tpu.dma_semaphore, #tpu.memory_space<semaphore_mem>>) attributes {dimension_semantics = [#tpu.dimension_semantics<core_parallel>, #tpu.dimension_semantics<subcore_parallel>], iteration_bounds = array<i64: 2, 16>, scalar_prefetch = 0 : i64, scratch_operands = 4 : i64, tpu.core_type = #tpu.core_type<sc_vector_subcore>, window_params = [{transform_indices = #map}, {transform_indices = #map1}, {transform_indices = #map}]} {
    %mul3A = arith.constant 2 : i32
    %mul3A_0 = arith.muli %arg1, %mul3A : i32
    %add3A = arith.addi %mul3A_0, %arg0 : i32
    %mul3A_1 = arith.constant 6400 : i32
    %mul3A_2 = arith.muli %add3A, %mul3A_1 : i32
    "tpu.region"() ({
      %run_scoped3A = tpu.sem_alloc : memref<!tpu.dma_semaphore, #tpu.memory_space<semaphore_mem>>
      %dma_start3A_50 = tpu.memref_slice %arg3[%mul3A_2] : memref<204800xi32, #tpu.memory_space<hbm>> -> memref<6400xi32, #tpu.memory_space<hbm>>
      %dma_start3A_51 = tpu.memref_slice %arg3[%mul3A_2] : memref<204800xi32, #tpu.memory_space<hbm>> -> memref<6400xi32, #tpu.memory_space<hbm>>
      tpu.enqueue_dma source(%dma_start3A_51 : memref<6400xi32, #tpu.memory_space<hbm>>) target(%arg5 : memref<6400xi32, #tpu.memory_space<vmem>>) target_semaphore(%run_scoped3A : memref<!tpu.dma_semaphore, #tpu.memory_space<semaphore_mem>>)
      %dma_wait3A_52 = tpu.memref_slice %arg3[%mul3A_2] : memref<204800xi32, #tpu.memory_space<hbm>> -> memref<6400xi32, #tpu.memory_space<hbm>>
      %dma_wait3A_53 = tpu.memref_slice %arg3[%mul3A_2] : memref<204800xi32, #tpu.memory_space<hbm>> -> memref<6400xi32, #tpu.memory_space<hbm>>
      tpu.wait_dma2 semaphore(%run_scoped3A : memref<!tpu.dma_semaphore, #tpu.memory_space<semaphore_mem>>) src(%dma_wait3A_53 : memref<6400xi32, #tpu.memory_space<hbm>>) dst(%arg5 : memref<6400xi32, #tpu.memory_space<vmem>>)
      tpu.yield
    }) : () -> ()
    %dma_start3A = arith.constant 0 : i32
    %dma_start3A_3 = arith.constant 0 : i32
    %dma_start3A_4 = arith.constant 0 : i32
    %dma_start3A_5 = arith.constant 0 : i32
    %dma_start3A_6 = tpu.memref_slice %arg6[%dma_start3A, %dma_start3A_4, %dma_start3A_5] : memref<2x256x128xf32, #tpu.memory_space<vmem>> -> memref<1x128x128xf32, #tpu.memory_space<vmem>>
    %dma_start3A_7 = tpu.memref_squeeze %dma_start3A_6 : memref<1x128x128xf32, #tpu.memory_space<vmem>> -> memref<128x128xf32, #tpu.memory_space<vmem>>
    %dma_start3A_8 = arith.constant 0 : i32
    %dma_start3A_9 = tpu.memref_slice %arg5[%dma_start3A_8] : memref<6400xi32, #tpu.memory_space<vmem>> -> memref<128xi32, #tpu.memory_space<vmem>>
    %dma_start3A_10 = arith.constant 0 : i32
    %dma_start3A_11 = arith.constant 0 : i32
    %dma_start3A_12 = tpu.memref_slice %arg2[%dma_start3A_10, %dma_start3A_11] : memref<4096x128xf32, #tpu.memory_space<hbm>> -> memref<4096x128xf32, #tpu.memory_space<hbm>>
    %dma_start3A_13 = tpu.memref_slice %arg7[%dma_start3A_3] : memref<2x!tpu.dma_semaphore, #tpu.memory_space<semaphore_mem>> -> memref<1x!tpu.dma_semaphore, #tpu.memory_space<semaphore_mem>>
    %dma_start3A_14 = tpu.memref_squeeze %dma_start3A_13 : memref<1x!tpu.dma_semaphore, #tpu.memory_space<semaphore_mem>> -> memref<!tpu.dma_semaphore, #tpu.memory_space<semaphore_mem>>
    tpu.enqueue_indirect_dma source(%dma_start3A_12 : memref<4096x128xf32, #tpu.memory_space<hbm>>) target(%dma_start3A_7 : memref<128x128xf32, #tpu.memory_space<vmem>>) offsets(%dma_start3A_9 : memref<128xi32, #tpu.memory_space<vmem>>) semaphore(%dma_start3A_14 : memref<!tpu.dma_semaphore, #tpu.memory_space<semaphore_mem>>)
    %dma_start3A_15 = arith.constant 0 : i32
    %dma_start3A_16 = arith.constant 0 : i32
    %dma_start3A_17 = arith.constant 128 : i32
    %dma_start3A_18 = arith.constant 0 : i32
    %dma_start3A_19 = tpu.memref_slice %arg6[%dma_start3A_15, %dma_start3A_17, %dma_start3A_18] : memref<2x256x128xf32, #tpu.memory_space<vmem>> -> memref<1x128x128xf32, #tpu.memory_space<vmem>>
    %dma_start3A_20 = tpu.memref_squeeze %dma_start3A_19 : memref<1x128x128xf32, #tpu.memory_space<vmem>> -> memref<128x128xf32, #tpu.memory_space<vmem>>
    %dma_start3A_21 = arith.constant 128 : i32
    %dma_start3A_22 = tpu.memref_slice %arg5[%dma_start3A_21] : memref<6400xi32, #tpu.memory_space<vmem>> -> memref<128xi32, #tpu.memory_space<vmem>>
    %dma_start3A_23 = arith.constant 0 : i32
    %dma_start3A_24 = arith.constant 0 : i32
    %dma_start3A_25 = tpu.memref_slice %arg2[%dma_start3A_23, %dma_start3A_24] : memref<4096x128xf32, #tpu.memory_space<hbm>> -> memref<4096x128xf32, #tpu.memory_space<hbm>>
    %dma_start3A_26 = tpu.memref_slice %arg7[%dma_start3A_16] : memref<2x!tpu.dma_semaphore, #tpu.memory_space<semaphore_mem>> -> memref<1x!tpu.dma_semaphore, #tpu.memory_space<semaphore_mem>>
    %dma_start3A_27 = tpu.memref_squeeze %dma_start3A_26 : memref<1x!tpu.dma_semaphore, #tpu.memory_space<semaphore_mem>> -> memref<!tpu.dma_semaphore, #tpu.memory_space<semaphore_mem>>
    tpu.enqueue_indirect_dma source(%dma_start3A_25 : memref<4096x128xf32, #tpu.memory_space<hbm>>) target(%dma_start3A_20 : memref<128x128xf32, #tpu.memory_space<vmem>>) offsets(%dma_start3A_22 : memref<128xi32, #tpu.memory_space<vmem>>) semaphore(%dma_start3A_27 : memref<!tpu.dma_semaphore, #tpu.memory_space<semaphore_mem>>)
    %scan3A = arith.constant 0 : i32
    %scan3A_28 = arith.constant 0 : i32
    %scan3A_29 = arith.constant 25 : i32
    %scan3A_30 = arith.addi %scan3A_28, %scan3A_29 : i32
    %scan3A_31 = arith.constant 1 : i32
    scf.for %scan3A_50 = %scan3A_28 to %scan3A_30 step %scan3A_31  : i32 {
      %rem3A_51 = arith.constant 2 : i32
      %rem3A_52 = arith.remsi %scan3A_50, %rem3A_51 : i32
      %sub3A = arith.constant 1 : i32
      %sub3A_53 = arith.subi %sub3A, %rem3A_52 : i32
      %mul3A_54 = arith.constant 256 : i32
      %mul3A_55 = arith.muli %scan3A_50, %mul3A_54 : i32
      %add3A_56 = arith.constant 0 : i32
      %add3A_57 = arith.addi %mul3A_55, %add3A_56 : i32
      %mul3A_58 = arith.constant 256 : i32
      %mul3A_59 = arith.muli %scan3A_50, %mul3A_58 : i32
      %add3A_60 = arith.constant 128 : i32
      %add3A_61 = arith.addi %mul3A_59, %add3A_60 : i32
      %dma_wait3A_62 = arith.constant 0 : i32
      %dma_wait3A_63 = arith.constant 0 : i32
      %dma_wait3A_64 = tpu.memref_slice %arg6[%rem3A_52, %dma_wait3A_62, %dma_wait3A_63] : memref<2x256x128xf32, #tpu.memory_space<vmem>> -> memref<1x128x128xf32, #tpu.memory_space<vmem>>
      %dma_wait3A_65 = tpu.memref_squeeze %dma_wait3A_64 : memref<1x128x128xf32, #tpu.memory_space<vmem>> -> memref<128x128xf32, #tpu.memory_space<vmem>>
      %dma_wait3A_66 = tpu.memref_slice %arg5[%add3A_57] : memref<6400xi32, #tpu.memory_space<vmem>> -> memref<128xi32, #tpu.memory_space<vmem>>
      %dma_wait3A_67 = arith.constant 0 : i32
      %dma_wait3A_68 = arith.constant 0 : i32
      %dma_wait3A_69 = tpu.memref_slice %arg2[%dma_wait3A_67, %dma_wait3A_68] : memref<4096x128xf32, #tpu.memory_space<hbm>> -> memref<4096x128xf32, #tpu.memory_space<hbm>>
      %dma_wait3A_70 = tpu.memref_slice %arg7[%rem3A_52] : memref<2x!tpu.dma_semaphore, #tpu.memory_space<semaphore_mem>> -> memref<1x!tpu.dma_semaphore, #tpu.memory_space<semaphore_mem>>
      %dma_wait3A_71 = tpu.memref_squeeze %dma_wait3A_70 : memref<1x!tpu.dma_semaphore, #tpu.memory_space<semaphore_mem>> -> memref<!tpu.dma_semaphore, #tpu.memory_space<semaphore_mem>>
      tpu.wait_indirect_dma semaphore(%dma_wait3A_71 : memref<!tpu.dma_semaphore, #tpu.memory_space<semaphore_mem>>) src(%dma_wait3A_69 : memref<4096x128xf32, #tpu.memory_space<hbm>>) dst(%dma_wait3A_65 : memref<128x128xf32, #tpu.memory_space<vmem>>)
      %dma_wait3A_72 = arith.constant 128 : i32
      %dma_wait3A_73 = arith.constant 0 : i32
      %dma_wait3A_74 = tpu.memref_slice %arg6[%rem3A_52, %dma_wait3A_72, %dma_wait3A_73] : memref<2x256x128xf32, #tpu.memory_space<vmem>> -> memref<1x128x128xf32, #tpu.memory_space<vmem>>
      %dma_wait3A_75 = tpu.memref_squeeze %dma_wait3A_74 : memref<1x128x128xf32, #tpu.memory_space<vmem>> -> memref<128x128xf32, #tpu.memory_space<vmem>>
      %dma_wait3A_76 = tpu.memref_slice %arg5[%add3A_61] : memref<6400xi32, #tpu.memory_space<vmem>> -> memref<128xi32, #tpu.memory_space<vmem>>
      %dma_wait3A_77 = arith.constant 0 : i32
      %dma_wait3A_78 = arith.constant 0 : i32
      %dma_wait3A_79 = tpu.memref_slice %arg2[%dma_wait3A_77, %dma_wait3A_78] : memref<4096x128xf32, #tpu.memory_space<hbm>> -> memref<4096x128xf32, #tpu.memory_space<hbm>>
      %dma_wait3A_80 = tpu.memref_slice %arg7[%rem3A_52] : memref<2x!tpu.dma_semaphore, #tpu.memory_space<semaphore_mem>> -> memref<1x!tpu.dma_semaphore, #tpu.memory_space<semaphore_mem>>
      %dma_wait3A_81 = tpu.memref_squeeze %dma_wait3A_80 : memref<1x!tpu.dma_semaphore, #tpu.memory_space<semaphore_mem>> -> memref<!tpu.dma_semaphore, #tpu.memory_space<semaphore_mem>>
      tpu.wait_indirect_dma semaphore(%dma_wait3A_81 : memref<!tpu.dma_semaphore, #tpu.memory_space<semaphore_mem>>) src(%dma_wait3A_79 : memref<4096x128xf32, #tpu.memory_space<hbm>>) dst(%dma_wait3A_75 : memref<128x128xf32, #tpu.memory_space<vmem>>)
      %ge3A = arith.constant 1 : i32
      %ge3A_82 = arith.cmpi sge, %scan3A_50, %ge3A : i32
      %convert_element_type3A = arith.extui %ge3A_82 : i1 to i32
      %cond3A = arith.constant 0 : i32
      %cond3A_83 = arith.cmpi ne, %convert_element_type3A, %cond3A : i32
      scf.if %cond3A_83 {
        %sub3A_107 = arith.constant 1 : i32
        %sub3A_108 = arith.subi %scan3A_50, %sub3A_107 : i32
        %mul3A_109 = arith.constant 256 : i32
        %mul3A_110 = arith.muli %sub3A_108, %mul3A_109 : i32
        %add3A_111 = arith.addi %mul3A_2, %mul3A_110 : i32
        %dma_wait3A_112 = arith.constant 0 : i32
        %dma_wait3A_113 = arith.constant 0 : i32
        %dma_wait3A_114 = tpu.memref_slice %arg6[%sub3A_53, %dma_wait3A_112, %dma_wait3A_113] : memref<2x256x128xf32, #tpu.memory_space<vmem>> -> memref<1x256x128xf32, #tpu.memory_space<vmem>>
        %dma_wait3A_115 = tpu.memref_squeeze %dma_wait3A_114 : memref<1x256x128xf32, #tpu.memory_space<vmem>> -> memref<256x128xf32, #tpu.memory_space<vmem>>
        %dma_wait3A_116 = arith.constant 0 : i32
        %dma_wait3A_117 = tpu.memref_slice %arg4[%add3A_111, %dma_wait3A_116] : memref<204800x128xf32, #tpu.memory_space<hbm>> -> memref<256x128xf32, #tpu.memory_space<hbm>>
        %dma_wait3A_118 = tpu.memref_slice %arg8[%sub3A_53] : memref<2x!tpu.dma_semaphore, #tpu.memory_space<semaphore_mem>> -> memref<1x!tpu.dma_semaphore, #tpu.memory_space<semaphore_mem>>
        %dma_wait3A_119 = tpu.memref_squeeze %dma_wait3A_118 : memref<1x!tpu.dma_semaphore, #tpu.memory_space<semaphore_mem>> -> memref<!tpu.dma_semaphore, #tpu.memory_space<semaphore_mem>>
        %dma_wait3A_120 = arith.constant 0 : i32
        %dma_wait3A_121 = tpu.memref_slice %arg4[%add3A_111, %dma_wait3A_120] : memref<204800x128xf32, #tpu.memory_space<hbm>> -> memref<256x128xf32, #tpu.memory_space<hbm>>
        %dma_wait3A_122 = arith.constant 0 : i32
        %dma_wait3A_123 = arith.constant 0 : i32
        %dma_wait3A_124 = tpu.memref_slice %arg6[%sub3A_53, %dma_wait3A_122, %dma_wait3A_123] : memref<2x256x128xf32, #tpu.memory_space<vmem>> -> memref<1x256x128xf32, #tpu.memory_space<vmem>>
        %dma_wait3A_125 = tpu.memref_squeeze %dma_wait3A_124 : memref<1x256x128xf32, #tpu.memory_space<vmem>> -> memref<256x128xf32, #tpu.memory_space<vmem>>
        tpu.wait_dma2 semaphore(%dma_wait3A_119 : memref<!tpu.dma_semaphore, #tpu.memory_space<semaphore_mem>>) src(%dma_wait3A_125 : memref<256x128xf32, #tpu.memory_space<vmem>>) dst(%dma_wait3A_121 : memref<256x128xf32, #tpu.memory_space<hbm>>)
      } else {
      }
      %add3A_84 = arith.constant 1 : i32
      %add3A_85 = arith.addi %scan3A_50, %add3A_84 : i32
      %lt3A = arith.constant 25 : i32
      %lt3A_86 = arith.cmpi slt, %add3A_85, %lt3A : i32
      %convert_element_type3A_87 = arith.extui %lt3A_86 : i1 to i32
      %cond3A_88 = arith.constant 0 : i32
      %cond3A_89 = arith.cmpi ne, %convert_element_type3A_87, %cond3A_88 : i32
      scf.if %cond3A_89 {
        %add3A_107 = arith.constant 1 : i32
        %add3A_108 = arith.addi %scan3A_50, %add3A_107 : i32
        %mul3A_109 = arith.constant 256 : i32
        %mul3A_110 = arith.muli %add3A_108, %mul3A_109 : i32
        %add3A_111 = arith.constant 0 : i32
        %add3A_112 = arith.addi %mul3A_110, %add3A_111 : i32
        %mul3A_113 = arith.constant 256 : i32
        %mul3A_114 = arith.muli %add3A_108, %mul3A_113 : i32
        %add3A_115 = arith.constant 128 : i32
        %add3A_116 = arith.addi %mul3A_114, %add3A_115 : i32
        %dma_start3A_117 = arith.constant 0 : i32
        %dma_start3A_118 = arith.constant 0 : i32
        %dma_start3A_119 = tpu.memref_slice %arg6[%sub3A_53, %dma_start3A_117, %dma_start3A_118] : memref<2x256x128xf32, #tpu.memory_space<vmem>> -> memref<1x128x128xf32, #tpu.memory_space<vmem>>
        %dma_start3A_120 = tpu.memref_squeeze %dma_start3A_119 : memref<1x128x128xf32, #tpu.memory_space<vmem>> -> memref<128x128xf32, #tpu.memory_space<vmem>>
        %dma_start3A_121 = tpu.memref_slice %arg5[%add3A_112] : memref<6400xi32, #tpu.memory_space<vmem>> -> memref<128xi32, #tpu.memory_space<vmem>>
        %dma_start3A_122 = arith.constant 0 : i32
        %dma_start3A_123 = arith.constant 0 : i32
        %dma_start3A_124 = tpu.memref_slice %arg2[%dma_start3A_122, %dma_start3A_123] : memref<4096x128xf32, #tpu.memory_space<hbm>> -> memref<4096x128xf32, #tpu.memory_space<hbm>>
        %dma_start3A_125 = tpu.memref_slice %arg7[%sub3A_53] : memref<2x!tpu.dma_semaphore, #tpu.memory_space<semaphore_mem>> -> memref<1x!tpu.dma_semaphore, #tpu.memory_space<semaphore_mem>>
        %dma_start3A_126 = tpu.memref_squeeze %dma_start3A_125 : memref<1x!tpu.dma_semaphore, #tpu.memory_space<semaphore_mem>> -> memref<!tpu.dma_semaphore, #tpu.memory_space<semaphore_mem>>
        tpu.enqueue_indirect_dma source(%dma_start3A_124 : memref<4096x128xf32, #tpu.memory_space<hbm>>) target(%dma_start3A_120 : memref<128x128xf32, #tpu.memory_space<vmem>>) offsets(%dma_start3A_121 : memref<128xi32, #tpu.memory_space<vmem>>) semaphore(%dma_start3A_126 : memref<!tpu.dma_semaphore, #tpu.memory_space<semaphore_mem>>)
        %dma_start3A_127 = arith.constant 128 : i32
        %dma_start3A_128 = arith.constant 0 : i32
        %dma_start3A_129 = tpu.memref_slice %arg6[%sub3A_53, %dma_start3A_127, %dma_start3A_128] : memref<2x256x128xf32, #tpu.memory_space<vmem>> -> memref<1x128x128xf32, #tpu.memory_space<vmem>>
        %dma_start3A_130 = tpu.memref_squeeze %dma_start3A_129 : memref<1x128x128xf32, #tpu.memory_space<vmem>> -> memref<128x128xf32, #tpu.memory_space<vmem>>
        %dma_start3A_131 = tpu.memref_slice %arg5[%add3A_116] : memref<6400xi32, #tpu.memory_space<vmem>> -> memref<128xi32, #tpu.memory_space<vmem>>
        %dma_start3A_132 = arith.constant 0 : i32
        %dma_start3A_133 = arith.constant 0 : i32
        %dma_start3A_134 = tpu.memref_slice %arg2[%dma_start3A_132, %dma_start3A_133] : memref<4096x128xf32, #tpu.memory_space<hbm>> -> memref<4096x128xf32, #tpu.memory_space<hbm>>
        %dma_start3A_135 = tpu.memref_slice %arg7[%sub3A_53] : memref<2x!tpu.dma_semaphore, #tpu.memory_space<semaphore_mem>> -> memref<1x!tpu.dma_semaphore, #tpu.memory_space<semaphore_mem>>
        %dma_start3A_136 = tpu.memref_squeeze %dma_start3A_135 : memref<1x!tpu.dma_semaphore, #tpu.memory_space<semaphore_mem>> -> memref<!tpu.dma_semaphore, #tpu.memory_space<semaphore_mem>>
        tpu.enqueue_indirect_dma source(%dma_start3A_134 : memref<4096x128xf32, #tpu.memory_space<hbm>>) target(%dma_start3A_130 : memref<128x128xf32, #tpu.memory_space<vmem>>) offsets(%dma_start3A_131 : memref<128xi32, #tpu.memory_space<vmem>>) semaphore(%dma_start3A_136 : memref<!tpu.dma_semaphore, #tpu.memory_space<semaphore_mem>>)
      } else {
      }
      %mul3A_90 = arith.constant 256 : i32
      %mul3A_91 = arith.muli %scan3A_50, %mul3A_90 : i32
      %add3A_92 = arith.addi %mul3A_2, %mul3A_91 : i32
      %dma_start3A_93 = arith.constant 0 : i32
      %dma_start3A_94 = arith.constant 0 : i32
      %dma_start3A_95 = tpu.memref_slice %arg6[%rem3A_52, %dma_start3A_93, %dma_start3A_94] : memref<2x256x128xf32, #tpu.memory_space<vmem>> -> memref<1x256x128xf32, #tpu.memory_space<vmem>>
      %dma_start3A_96 = tpu.memref_squeeze %dma_start3A_95 : memref<1x256x128xf32, #tpu.memory_space<vmem>> -> memref<256x128xf32, #tpu.memory_space<vmem>>
      %dma_start3A_97 = arith.constant 0 : i32
      %dma_start3A_98 = tpu.memref_slice %arg4[%add3A_92, %dma_start3A_97] : memref<204800x128xf32, #tpu.memory_space<hbm>> -> memref<256x128xf32, #tpu.memory_space<hbm>>
      %dma_start3A_99 = tpu.memref_slice %arg8[%rem3A_52] : memref<2x!tpu.dma_semaphore, #tpu.memory_space<semaphore_mem>> -> memref<1x!tpu.dma_semaphore, #tpu.memory_space<semaphore_mem>>
      %dma_start3A_100 = tpu.memref_squeeze %dma_start3A_99 : memref<1x!tpu.dma_semaphore, #tpu.memory_space<semaphore_mem>> -> memref<!tpu.dma_semaphore, #tpu.memory_space<semaphore_mem>>
      %dma_start3A_101 = arith.constant 0 : i32
      %dma_start3A_102 = tpu.memref_slice %arg4[%add3A_92, %dma_start3A_101] : memref<204800x128xf32, #tpu.memory_space<hbm>> -> memref<256x128xf32, #tpu.memory_space<hbm>>
      %dma_start3A_103 = arith.constant 0 : i32
      %dma_start3A_104 = arith.constant 0 : i32
      %dma_start3A_105 = tpu.memref_slice %arg6[%rem3A_52, %dma_start3A_103, %dma_start3A_104] : memref<2x256x128xf32, #tpu.memory_space<vmem>> -> memref<1x256x128xf32, #tpu.memory_space<vmem>>
      %dma_start3A_106 = tpu.memref_squeeze %dma_start3A_105 : memref<1x256x128xf32, #tpu.memory_space<vmem>> -> memref<256x128xf32, #tpu.memory_space<vmem>>
      tpu.enqueue_dma source(%dma_start3A_106 : memref<256x128xf32, #tpu.memory_space<vmem>>) target(%dma_start3A_102 : memref<256x128xf32, #tpu.memory_space<hbm>>) target_semaphore(%dma_start3A_100 : memref<!tpu.dma_semaphore, #tpu.memory_space<semaphore_mem>>)
    }
    %scan3A_32 = arith.constant 25 : i32
    %rem3A = arith.constant 24 : i32
    %rem3A_33 = arith.constant 2 : i32
    %rem3A_34 = arith.remsi %rem3A, %rem3A_33 : i32
    %add3A_35 = arith.constant 6144 : i32
    %add3A_36 = arith.addi %mul3A_2, %add3A_35 : i32
    %dma_wait3A = arith.constant 0 : i32
    %dma_wait3A_37 = arith.constant 0 : i32
    %dma_wait3A_38 = tpu.memref_slice %arg6[%rem3A_34, %dma_wait3A, %dma_wait3A_37] : memref<2x256x128xf32, #tpu.memory_space<vmem>> -> memref<1x256x128xf32, #tpu.memory_space<vmem>>
    %dma_wait3A_39 = tpu.memref_squeeze %dma_wait3A_38 : memref<1x256x128xf32, #tpu.memory_space<vmem>> -> memref<256x128xf32, #tpu.memory_space<vmem>>
    %dma_wait3A_40 = arith.constant 0 : i32
    %dma_wait3A_41 = tpu.memref_slice %arg4[%add3A_36, %dma_wait3A_40] : memref<204800x128xf32, #tpu.memory_space<hbm>> -> memref<256x128xf32, #tpu.memory_space<hbm>>
    %dma_wait3A_42 = tpu.memref_slice %arg8[%rem3A_34] : memref<2x!tpu.dma_semaphore, #tpu.memory_space<semaphore_mem>> -> memref<1x!tpu.dma_semaphore, #tpu.memory_space<semaphore_mem>>
    %dma_wait3A_43 = tpu.memref_squeeze %dma_wait3A_42 : memref<1x!tpu.dma_semaphore, #tpu.memory_space<semaphore_mem>> -> memref<!tpu.dma_semaphore, #tpu.memory_space<semaphore_mem>>
    %dma_wait3A_44 = arith.constant 0 : i32
    %dma_wait3A_45 = tpu.memref_slice %arg4[%add3A_36, %dma_wait3A_44] : memref<204800x128xf32, #tpu.memory_space<hbm>> -> memref<256x128xf32, #tpu.memory_space<hbm>>
    %dma_wait3A_46 = arith.constant 0 : i32
    %dma_wait3A_47 = arith.constant 0 : i32
    %dma_wait3A_48 = tpu.memref_slice %arg6[%rem3A_34, %dma_wait3A_46, %dma_wait3A_47] : memref<2x256x128xf32, #tpu.memory_space<vmem>> -> memref<1x256x128xf32, #tpu.memory_space<vmem>>
    %dma_wait3A_49 = tpu.memref_squeeze %dma_wait3A_48 : memref<1x256x128xf32, #tpu.memory_space<vmem>> -> memref<256x128xf32, #tpu.memory_space<vmem>>
    tpu.wait_dma2 semaphore(%dma_wait3A_43 : memref<!tpu.dma_semaphore, #tpu.memory_space<semaphore_mem>>) src(%dma_wait3A_49 : memref<256x128xf32, #tpu.memory_space<vmem>>) dst(%dma_wait3A_45 : memref<256x128xf32, #tpu.memory_space<hbm>>)
    return
  }
}

</mosaic_0001>

<sc_bundles>
// kernel: _sc_gather_call.3.cloned.1.call-start
scs
__scs_entry_jumppad:
0x0: {  	(pc) =	sbr.rel $0x88, $3  }
0x1: {  	(tag) =	ssettag $0x0;
	lr =	simm.s32 $0x1  }
0x2: {  	[smem:$0x3F9F] =	sst lr;
	_ =	strace $0xD0000000  }
0x3: {  	_ = 	snop  }
0x4: {  	_ = 	snop  }
0x5: {  	_ = 	snop  }
0x6: {  	_ = 	snop  }
0x7: {  	_ = 	snop  }
__scs_overlays_trampoline_lowered:
0x8: {  	[smem:$0x3FAE] =	sst s0  }
0x9: {  	[smem:$0x3FAF] =	sst s1  }
0xa: {  	[smem:$0x3FB0] =	sst s2  }
0xb: {  	[smem:$0x3FB1] =	sst s3  }
0xc: {  	[smem:$0x3FB2] =	sst s4  }
0xd: {  	[smem:$0x3FB3] =	sst s5  }
0xe: {  	[smem:$0x3FB4] =	sst s6  }
0xf: {  	[smem:$0x3FB5] =	sst s7  }
0x10: {  	[smem:$0x3FB6] =	sst s8  }
0x11: {  	[smem:$0x3FB7] =	sst s9;
	s0 =	simm.s32 @!p0 $0x0  }
0x12: {  	s1 =	sld [smem:$0x3F9D];
	s0 =	simm.s32 @p0 $0x1  }
0x13: {  	[smem:$0x3FB8] =	sst s0;
	s0 =	simm.s32 @!p1 $0x0  }
0x14: {  	s2 =	sld [smem:$0x3F9C];
	s0 =	simm.s32 @p1 $0x1  }
0x15: {  	[smem:$0x3FB9] =	sst s0;
	s0 =	simm.s32 @!p2 $0x0  }
0x16: {  	s3 =	sld [smem:$0x3FDB];
	s0 =	simm.s32 @p2 $0x1  }
0x17: {  	s4 =	simm.s32 $0x1BF5;
	[smem:$0x3FBB] =	sst s0  }
0x18: {  	s0 =	sld [smem:$0x3F9E];
	_ =	swait.ge [sflag:s4], $0x0  }
0x19: {  	s7 =	sld [smem:$0x3F9F]  }
0x1a: {  	s8 =	sadd.s32 $0xFFFFE003, lr  }
0x1b: {  	s9 =	sadd.s32 $0xFFFFFEF7, lr;
	s5 =	simm.s32 $0xFFFFFFFF;
	p2 =	slt.u32 s8, $0xFFFFF086  }
0x1c: {  	p1 =	slt.u32 s9, $0xF7A;
	s5 =	simm.s32 @!p2 $0x0  }
0x1d: {  	s5 =	simm.s32 @p1 $0x1;
	p0 =	seq.s32 s7, s2  }
0x1e: {  	s7 =	smul.u32 @!p0 $0xF7A, s2;
	p2 =	seq.s32 @!p0 s5, $0x0  }
0x1f: {  	s9 =	smul.u32 $0xF7A, s1;
	s8 =	simm.s32 @!p0 $0x1BF5;
	p2 =	por !p2, p0  }
0x20: {  	[sflag:s8] =	ssyncset.s32 @!p0 $0xFFFFF086;
	s6 =	sadd.s32 @!p0 s3, s7;
	s7 =	simm.s32 @!p0 $0x108  }
0x21: {  	s3 =	sadd.s32 s3, s9;
	s6 =	sadd.s32 @!p0 $0x88, s6;
	s7 =	simm.s32 @p2 $0x1082  }
0x22: {  	[simem:s7], [sflag:s8] =	dma.local @!p0 [hbm:s6], $0xF7A  }
0x23: {  	s9 =	sor.u32 $0xD0000000, s2;
	s6 =	simm.s32 $0x108;
	_ =	swait.ge @!p0 [sflag:s8], $0x0  }
0x24: {  	s3 =	sadd.s32 $0x88, s3;
	s6 =	simm.s32 @!p1 $0x1082;
	[sflag:s4] =	ssyncset.s32 $0xFFFFF086  }
0x25: {  	[simem:s6], [sflag:s4] =	dma.local [hbm:s3], $0xF7A  }
0x26: {  	[smem:$0x3F9F] =	sst s1;
	(tag) =	ssettag s2;
	_ =	strace s9  }
0x27: {  	s1 =	sld [smem:$0x3FAF]  }
0x28: {  	s2 =	sld [smem:$0x3FB0]  }
0x29: {  	s4 =	sld [smem:$0x3FB2]  }
0x2a: {  	p0 =	seq.s32 s5, $0x0;
	s5 =	sld [smem:$0x3FB3]  }
0x2b: {  	s6 =	sld [smem:$0x3FB4]  }
0x2c: {  	s7 =	sld [smem:$0x3FB5]  }
0x2d: {  	s3 =	simm.s32 $0x108;
	s8 =	sld [smem:$0x3FB6]  }
0x2e: {  	s3 =	simm.s32 @!p0 $0x1082;
	s9 =	sld [smem:$0x3FB7]  }
0x2f: {  	lr =	sadd.s32 s0, s3;
	s0 =	sld [smem:$0x3FAE]  }
0x30: {  	s3 =	sld [smem:$0x3FB1]  }
0x31: {  	[smem:$0x3FBA] =	sst s10  }
0x32: {  	s10 =	sld [smem:$0x3FB8];
	_ =	sdelay $0x3  }
0x33: {  	p0 =	seq.s32 s10, $0x1;
	s10 =	sld [smem:$0x3FBA];
	_ =	sdelay $0x3  }
0x34: {  	[smem:$0x3FBA] =	sst s10  }
0x35: {  	s10 =	sld [smem:$0x3FB9];
	_ =	sdelay $0x3  }
0x36: {  	p1 =	seq.s32 s10, $0x1;
	s10 =	sld [smem:$0x3FBA];
	_ =	sdelay $0x3  }
0x37: {  	[smem:$0x3FBA] =	sst s10  }
0x38: {  	s10 =	sld [smem:$0x3FBB]  }
0x39: {  	_ = 	snop;
	(pc) =	sbr.ind lr, $3  }
0x3a: {  	_ = 	snop  }
0x3b: {  	_ = 	snop  }
0x3c: {  	p2 =	seq.s32 s10, $0x1;
	s10 =	sld [smem:$0x3FBA]  }
0x3d: {  	_ =	shalt  }
0x3e: {  	_ =	shalt  }
0x3f: {  	_ =	shalt  }
0x40: {  	_ =	shalt  }
0x41: {  	_ =	shalt  }
0x42: {  	_ =	shalt  }
0x43: {  	_ =	shalt  }
0x44: {  	_ =	shalt  }
0x45: {  	_ =	shalt  }
0x46: {  	_ =	shalt  }
0x47: {  	_ =	shalt  }
0x48: {  	_ =	shalt  }
0x49: {  	_ =	shalt  }
0x4a: {  	_ =	shalt  }
0x4b: {  	_ =	shalt  }
0x4c: {  	_ =	shalt  }
0x4d: {  	_ =	shalt  }
0x4e: {  	_ =	shalt  }
0x4f: {  	_ =	shalt  }
0x50: {  	_ =	shalt  }
0x51: {  	_ =	shalt  }
0x52: {  	_ =	shalt  }
0x53: {  	_ =	shalt  }
0x54: {  	_ =	shalt  }
0x55: {  	_ =	shalt  }
0x56: {  	_ =	shalt  }
0x57: {  	_ =	shalt  }
0x58: {  	_ =	shalt  }
0x59: {  	_ =	shalt  }
0x5a: {  	_ =	shalt  }
0x5b: {  	_ =	shalt  }
0x5c: {  	_ =	shalt  }
0x5d: {  	_ =	shalt  }
0x5e: {  	_ =	shalt  }
0x5f: {  	_ =	shalt  }
0x60: {  	_ =	shalt  }
0x61: {  	_ =	shalt  }
0x62: {  	_ =	shalt  }
0x63: {  	_ =	shalt  }
0x64: {  	_ =	shalt  }
0x65: {  	_ =	shalt  }
0x66: {  	_ =	shalt  }
0x67: {  	_ =	shalt  }
0x68: {  	_ =	shalt  }
0x69: {  	_ =	shalt  }
0x6a: {  	_ =	shalt  }
0x6b: {  	_ =	shalt  }
0x6c: {  	_ =	shalt  }
0x6d: {  	_ =	shalt  }
0x6e: {  	_ =	shalt  }
0x6f: {  	_ =	shalt  }
0x70: {  	_ =	shalt  }
0x71: {  	_ =	shalt  }
0x72: {  	_ =	shalt  }
0x73: {  	_ =	shalt  }
0x74: {  	_ =	shalt  }
0x75: {  	_ =	shalt  }
0x76: {  	_ =	shalt  }
0x77: {  	_ =	shalt  }
0x78: {  	_ =	shalt  }
0x79: {  	_ =	shalt  }
0x7a: {  	_ =	shalt  }
0x7b: {  	_ =	shalt  }
0x7c: {  	_ =	shalt  }
0x7d: {  	_ =	shalt  }
0x7e: {  	_ =	shalt  }
0x7f: {  	_ =	shalt  }
0x80: {  	_ =	shalt  }
0x81: {  	_ =	shalt  }
0x82: {  	_ =	shalt  }
0x83: {  	_ =	shalt  }
0x84: {  	_ =	shalt  }
0x85: {  	_ =	shalt  }
0x86: {  	_ =	shalt  }
0x87: {  	_ =	shalt  }
.Lfunc_end0:
.L_simem_size_0:
called_computation_lowered:
.L_overlay_start_0:
0x88: {  	s2 =	sld [smem:$0x3FD9]  }
0x89: {  	s3 =	sld [smem:$0x3FFE];
	_ =	sdelay $0x1  }
0x8a: {  	s1 =	srdreg.scid  }
0x8b: {  	s0 =	sand.u32 $0x1, s1  }
0x8c: {  	s18 =	sshll.u32 s0, $0xA;
	s2 =	sadd.s32 s3, s2  }
0x8d: {  	s2 =	sadd.s32 s2, s18  }
0x8e: {  	[smem:$0x3FC6] =	sst s2  }
0x8f: {  	_ = 	snop  }
0x90: {  	s2 =	sld [smem:$0x3FC9]  }
0x91: {  	s19 =	sld [smem:$0x3FC8]  }
0x92: {  	s4 =	sld [smem:$0x3FD0];
	(tm) =	ssettm $0x1  }
0x93: {  	s5 =	sld [smem:$0x3FFB];
	_ =	sdelay $0x3  }
0x94: {  	_ =	strace s5  }
0x95: {  	s5 =	sld [smem:$0x3FFC];
	_ =	sdelay $0x3  }
0x96: {  	_ =	strace s5  }
0x97: {  	s5 =	sld [smem:$0x3FFD];
	_ =	sdelay $0x3  }
0x98: {  	_ =	strace s5  }
0x99: {  	_ =	strace $0x8FFFFFFF  }
0x9a: {  	s20 =	sld [smem:$0x3FDB];
	_ =	sdelay $0x1  }
0x9b: {  	s6 =	simm.s32 $_scs_section_size  }
0x9c: {  	s7 =	simm.s32 $_size__tile_overlayer_lowered;
	s8 =	simm.s32 $_tile_overlayer_lowered  }
0x9d: {  	s23 =	simm.s32 $0x1BFF;
	s22 =	sshll.u32 s8, $0x1;
	s5 =	sadd.s32 s6, s20  }
0x9e: {  	s9 =	simm.s32 $0x0;
	s21 =	sshll.u32 s7, $0x1;
	s7 =	sadd.s32 s22, s5  }
0x9f: {  	[timem:s9], [sflag:s23] =	dma.local [hbm:s7], s21  }
0xa0: {  	_ =	swait.ge [sflag:s23], s21  }
0xa1: {  	s6 =	ssub.s32 $0x0, s21;
	[sflag:s23] =	ssyncset.done $0x0  }
0xa2: {  	[sflag:s23] =	ssyncadd.s32 s6;
	_ =	sdelay $0x1  }
0xa3: {  	s24 =	simm.s32 $0x1B8B  }
0xa4: {  	_ =	swait.ge [sflag:s24], $0x1  }
0xa5: {  	[sflag:s24] =	ssyncset.done $0x0  }
0xa6: {  	s25 =	simm.s32 $0x1B8E;
	[sflag:s24] =	ssyncadd.s32 $0xFFFFFFFF  }
0xa7: {  	s26 =	simm.s32 $execute0_lowered;
	[smem:$0x3FD2] =	sst s25  }
0xa8: {  	s6 =	sshll.u32 s26, $0x1;
	_ =	strace $0x80000046;
	[dreg:$0x1] =	wrdreg $0xFFFFFFFF  }
0xa9: {  	s28 =	simm.s32 $_size_execute0_lowered;
	s5 =	sadd.s32 s5, s6;
	[dreg:$0x0] =	wrdreg $0x0  }
0xaa: {  	s6 =	sshll.u32 s28, $0x1;
	[dreg:$0x2] =	wrdreg s5  }
0xab: {  	[dreg:$0x3] =	wrdreg s6  }
0xac: {  	[dreg:$0x4] =	wrdreg $0xC0  }
0xad: {  	_ =	task [dreg:s9], $0x5FFFF  }
0xae: {  	[dreg:$0x1] =	wrdreg $0xFFFFFFFF  }
0xaf: {  	[dreg:$0x0] =	wrdreg $0x60  }
0xb0: {  	[dreg:$0x2] =	wrdreg s2  }
0xb1: {  	[dreg:$0x3] =	wrdreg s19  }
0xb2: {  	[dreg:$0x4] =	wrdreg s4  }
0xb3: {  	[dreg:$0x5] =	wrdreg $0x9  }
0xb4: {  	_ =	task.clear_ibuf [dreg:s9], $0x6FFFF;
	_ =	strace $0x90000046  }
0xb5: {  	s29 =	simm.s32 $0x9;
	_ =	strace $0x80000048  }
0xb6: {  	_ =	swait.ge [sflag:s29], $0x1  }
0xb7: {  	[sflag:s29] =	ssyncadd.s32 $0xFFFFFFFF  }
0xb8: {  	_ =	strace $0x90000048  }
0xb9: {  	_ =	sfence  }
0xba: {  	s30 =	sld [smem:$0x0];
	_ =	sdelay $0x2  }
0xbb: {  	s31 =	sshll.u32 s1, $0xD;
	s1 =	sshrl.u32 s1, $0x2  }
0xbc: {  	s3 =	sand.u32 $0x4000, s31;
	s1 =	sadd.s32 s1, s30  }
0xbd: {  	s0 =	sor.u32 s3, s0;
	s1 =	sshll.u32 s1, $0x11  }
0xbe: {  	s0 =	sor.u32 s1, s0  }
0xbf: {  	s0 =	sadd.s32 $0x8F2B, s0  }
0xc0: {  	[sflag:s0] =	ssyncadd.remote.s32 $0x1  }
0xc1: {  	_ =	sfence.sel $0xFFFF  }
0xc2: {  	[dreg:$0x0] =	wrdreg $0xFFFFFFFF;
	(pc) =	sbr.abs _section_cstart, $3  }
0xc3: {  	[dreg:$0x1] =	wrdreg $0xFFFFFFFF  }
0xc4: {  	_ =	task.clear_ibuf [dreg:s9], $0x2FFFF;
	_ =	strace $0x9FFFFFFF  }
0xc5: {  	(tm) =	ssettm $0x7FFFFFFF  }
tec
execute0_lowered:
.L_overlay_start_1:
0x0: {  	(tag) =	ssettag $0x1  }
0x1: {  	s2 =	rddreg [dreg:$0x0]  }
0x2: {  	s5 =	rddreg [dreg:$0x1]  }
0x3: {  	s3 =	rddreg [dreg:$0x2]  }
0x4: {  	s4 =	srdreg.scid;
	s1 =	stileid.u32  }
0x5: {  	s0 =	rddreg [dreg:$0x3];
	s10 =	simm.s32 $0x1900;
	s11 =	simm.s32 $0x5900  }
0x6: {  	s12 =	simm.s32 $0x3;
	s13 =	simm.s32 $0x0;
	s6 =	sand.u32 $0x1, s4  }
.Ltmp0:
0x7: {  	s7 =	sshll.u32 s1, $0x1;
	s4 =	simm.s32 $0x0;
	(pc) =	sbr.rel .LBB2_1-.Ltmp0, $4  }
0x8: {  	s8 =	ssub.s32 $0x2, s6;
	s6 =	sor.u32 s6, s7;
	[smem:$0x7FF] =	sst s4  }
0x9: {  	s31 =	sshrl.u32 s8, $0x1;
	s9 =	smul.u32 $0x320, s6;
	_ =	strace $0x80000047  }
0xa: {  	s6 =	smul.u32 $0xC8000, s6;
	s7 =	ssub.s32 s8, s31;
	s8 =	simm.s32 $0x5  }
0xb: {  	s5 =	sadd.s32 s5, s9;
	s7 =	smax.u32 s7, $0x1;
	s9 =	simm.s32 $0x80  }
.LBB2_5:
0xc: {  	s13 =	sadd.s32 $0x1, s13  }
0xd: {  	p0 =	sne.s32 s13, s7  }
.Ltmp1:
0xe: {  	_ = 	snop;
	(pc) =	sbr.rel @!p0 .LBB2_6-.Ltmp1, $4  }
0xf: {  	_ = 	snop  }
0x10: {  	_ =	swait.ge [sflag:s12], $0x8000  }
0x11: {  	[sflag:s12] =	ssyncset.done $0x0  }
0x12: {  	[sflag:s12] =	ssyncadd.s32 $0xFFFF8000  }
.LBB2_1:
0x13: {  	[tilespmem:s4], [sflag:$0x5] =	stream.linear.gather [hbm4b:s5+s4], $0x1900, $0x38;
	[tilespmem:$0x11900] =	vst v63  }
0x14: {  	_ =	swait.ge [sflag:s8], $0x1900  }
.Ltmp2:
0x15: {  	[sflag:s8] =	ssyncset.done $0x0;
	(pc) =	sbr.rel .LBB2_2-.Ltmp2, $4  }
0x16: {  	[sflag:s8] =	ssyncadd.s32 $0xFFFFE700  }
0x17: {  	[tilespmem:s10], [sflag:$0x1] =	stream.indirect.gather [hbm4b:s2+s9], $0x80, s4, s9, $0xb8;
	[tilespmem:$0x11900] =	vst v63  }
0x18: {  	s15 =	simm.s32 $0x0  }
0x19: {  	[tilespmem:s11], [sflag:$0x1] =	stream.indirect.gather [hbm4b:s2+s9], $0x80, s9, s9, $0xb8;
	[tilespmem:$0x11900] =	vst v63  }
.LBB2_4:
0x1a: {  	s15 =	sshll.u32 s15, $0xF;
	p0 =	slt.u32 s16, $0x19  }
.Ltmp3:
0x1b: {  	s15 =	sadd.s32 s6, s15;
	(pc) =	sbr.rel @!p0 .LBB2_5-.Ltmp3, $4  }
0x1c: {  	s17 =	sshll.u32 s14, $0xF;
	s15 =	sshrl.u32 s15, $0x3  }
0x1d: {  	s31 =	sadd.s32 $0x3, s14;
	s17 =	sor.u32 $0x1900, s17;
	s15 =	sadd.s32 s3, s15  }
0x1e: {  	[hbm4b:s15+s4] =	stream.linear.scatter [tilespmem:s17], [sflag:s31], $0x8000, $0x38;
	[tilespmem:$0x11900] =	vst v63  }
0x1f: {  	s15 =	smov.u32 s16  }
.LBB2_2:
0x20: {  	s14 =	sand.u32 $0x1, s15  }
0x21: {  	s16 =	sadd.s32 $0x1, s14  }
0x22: {  	_ =	swait.ge [sflag:s16], $0x4000  }
0x23: {  	p0 =	seq.s32 s15, $0x0;
	[sflag:s16] =	ssyncset.done $0x0  }
0x24: {  	p1 =	seq.s32 @!p0 s15, $0x18;
	[sflag:s16] =	ssyncadd.s32 $0xFFFFC000  }
0x25: {  	p1 =	por p0, !p1;
	_ =	swait.ge [sflag:s16], $0x4000  }
.Ltmp4:
0x26: {  	s17 =	sxor.u32 $0x1, s14;
	[sflag:s16] =	ssyncset.done $0x0;
	(pc) =	sbr.rel @!p1 .LBB2_4-.Ltmp4, $4  }
0x27: {  	[sflag:s16] =	ssyncadd.s32 $0xFFFFC000;
	s16 =	sadd.s32 @!p0 $0x3, s17  }
0x28: {  	_ =	swait.ge @!p0 [sflag:s16], $0x8000  }
0x29: {  	[sflag:s16] =	ssyncset.done @!p0 $0x0  }
0x2a: {  	[sflag:s16] =	ssyncadd.s32 @!p0 $0xFFFF8000;
	s16 =	simm.s32 @!p0 $0x19  }
0x2b: {  	s16 =	sadd.s32 @!p0 $0x1, s15  }
0x2c: {  	s16 =	simm.s32 @p0 $0x1  }
.Ltmp5:
0x2d: {  	s18 =	sshll.u32 s17, $0xF;
	s19 =	sshll.u32 s16, $0x8;
	(pc) =	sbr.rel .LBB2_4-.Ltmp5, $4  }
0x2e: {  	s31 =	sadd.s32 $0x1, s17;
	s20 =	sor.u32 $0x1900, s18;
	s19 =	sand.u32 $0x3FFFFF00, s19  }
0x2f: {  	[tilespmem:s20], [sflag:s31] =	stream.indirect.gather [hbm4b:s2+s9], $0x80, s19, s9, $0xb8;
	[tilespmem:$0x11900] =	vst v63  }
0x30: {  	s18 =	sor.u32 $0x5900, s18;
	s19 =	sor.u32 $0x80, s19  }
0x31: {  	[tilespmem:s18], [sflag:s31] =	stream.indirect.gather [hbm4b:s2+s9], $0x80, s19, s9, $0xb8;
	[tilespmem:$0x11900] =	vst v63  }
.LBB2_6:
0x32: {  	_ =	sfence.sel $0x180000  }
0x33: {  	[bflag:$0x0] =	sbarrier.arrive $0xFFFF  }
0x34: {  	p0 =	sne.s32 s1, $0x0;
	_ =	strace $0x90000047  }
0x35: {  	s0 =	sadd.s32 @!p0 $0x100000, s0;
	[bflag:$0x2] =	sbarrier.arrive $0xFFFF  }
0x36: {  	[sflag:s0] =	ssyncadd.tile.s32 @!p0 $0x1;
	_ =	shalt  }
.Lfunc_end2:
_tile_overlayer_lowered:
.L_overlay_start_2:
0x37: {  	(tag) =	ssettag $0x2  }
0x38: {  	s0 =	rddreg [dreg:$0x0];
	s2 =	stileid.u32  }
0x39: {  	s1 =	rddreg [dreg:$0x1];
	p0 =	sne.s32 s2, $0x0  }
0x3a: {  	s3 =	rddreg [dreg:$0x2];
	[bflag:$0x3] =	sbarrier.arrive $0xFFFF;
	s2 =	simm.s32 @!p0 $0x1C05  }
0x3b: {  	[timem:s3], [sflag:s2] =	dma.local @!p0 [hbm:s0], s1  }
0x3c: {  	s0 =	simm.s32 @!p0 $0x5  }
0x3d: {  	_ =	swait.ge @!p0 [sflag:s0], s1  }
0x3e: {  	s1 =	ssub.s32 @!p0 $0x0, s1;
	[sflag:s0] =	ssyncset.done @!p0 $0x0  }
0x3f: {  	[sflag:s0] =	ssyncadd.s32 @!p0 s1  }
0x40: {  	[bflag:$0x3] =	sbarrier.arrive $0xFFFF  }
0x41: {  	_ =	shalt  }

</sc_bundles>
